<compile_context>
chip_gen: v7x
topology: tpu7x:2x2x1
jax: 0.10.2.dev20260603
libtpu: 0.0.44.dev20260713+nightly
codegen_flags: <defaults>
</compile_context>

<pallas_src>
import functools

import jax
import jax.numpy as jnp
from jax import lax
from jax.experimental import pallas as pl
from jax.experimental.pallas import tpu as pltpu
from jax.experimental.pallas import tpu_sc as plsc

B = 4096
DAY = 7
AF = 26
UF = 26
EMB = 16
AFT = DAY * AF
NA = B * AFT
NU = B * UF
NC, NS = 2, 16
NW = NC * NS
A_PER_W = NA // NW
U_PER_W = NU // NW
A_CHUNK = 2912
A_STEPS = A_PER_W // A_CHUNK
A_ROWS = 1000000
U_ROWS = 100000


A_CBLK = 8192
A_TSTEPS = (A_ROWS + A_CBLK - 1) // A_CBLK
A_LBLK = A_CBLK // 8


def _fold_rows(xt, nrows):
    y3 = xt.reshape(nrows, 8, EMB)
    return jnp.concatenate([y3[:, m, :] for m in range(8)], axis=1)


def _lin_a_kernel(at_ref, out_ref):
    x = at_ref[...]
    out_ref[...] = _fold_rows(x.T, A_LBLK)


def _lin_u_kernel(ut_ref, out_ref):
    x = ut_ref[...]
    out_ref[...] = _fold_rows(x.T, A_LBLK)


def _linearize(a_table, u_table):
    a_lin = pl.pallas_call(
        _lin_a_kernel,
        grid=(A_TSTEPS,),
        in_specs=[pl.BlockSpec((16, A_CBLK), lambda i: (0, i))],
        out_specs=pl.BlockSpec((A_LBLK, 128), lambda i: (i, 0)),
        out_shape=jax.ShapeDtypeStruct((A_ROWS // 8, 128), jnp.float32),
    )(a_table.T)
    u_lin = pl.pallas_call(
        _lin_u_kernel,
        grid=((U_ROWS + A_CBLK - 1) // A_CBLK,),
        in_specs=[pl.BlockSpec((16, A_CBLK), lambda i: (0, i))],
        out_specs=pl.BlockSpec((A_LBLK, 128), lambda i: (i, 0)),
        out_shape=jax.ShapeDtypeStruct((U_ROWS // 8, 128), jnp.float32),
    )(u_table.T)
    return a_lin, u_lin




def _sc_gather(a_tab, u_tab, ai_flat, ui_flat):
    mesh = plsc.VectorSubcoreMesh(core_axis_name="c", subcore_axis_name="s")

    @functools.partial(
        pl.kernel,
        mesh=mesh,
        compiler_params=pltpu.CompilerParams(use_tc_tiling_on_sc=False),
        out_type=(
            jax.ShapeDtypeStruct((NA, EMB), jnp.float32),
            jax.ShapeDtypeStruct((NU, EMB), jnp.float32),
        ),
        scratch_types=[
            pltpu.VMEM((A_CHUNK,), jnp.int32),
            pltpu.VMEM((A_CHUNK, EMB), jnp.float32),
            pltpu.VMEM((U_PER_W,), jnp.int32),
            pltpu.VMEM((U_PER_W, EMB), jnp.float32),
            pltpu.SemaphoreType.DMA,
        ],
    )
    def gather_kernel(a_tab_hbm, u_tab_hbm, ai_hbm, ui_hbm, a_out, u_out,
                      a_idx_v, a_rows_v, u_idx_v, u_rows_v, sem):
        wid = lax.axis_index("s") * NC + lax.axis_index("c")

        a_base = wid * A_PER_W

        @pl.loop(0, A_STEPS)
        def _(cstep):
            base = a_base + cstep * A_CHUNK
            pltpu.sync_copy(ai_hbm.at[pl.ds(base, A_CHUNK)], a_idx_v)
            pltpu.async_copy(a_tab_hbm.at[a_idx_v], a_rows_v, sem).wait()
            pltpu.sync_copy(a_rows_v, a_out.at[pl.ds(base, A_CHUNK)])

        u_base = wid * U_PER_W
        pltpu.sync_copy(ui_hbm.at[pl.ds(u_base, U_PER_W)], u_idx_v)
        pltpu.async_copy(u_tab_hbm.at[u_idx_v], u_rows_v, sem).wait()
        pltpu.sync_copy(u_rows_v, u_out.at[pl.ds(u_base, U_PER_W)])

    return gather_kernel(a_tab, u_tab, ai_flat, ui_flat)



BB = 512
ADIM = AFT * EMB
UDIM = UF * EMB


def _tc_reduce_kernel(rows_a_ref, av_ref, rows_u_ref, uv_ref, y_ref,
                      fcw_ref, fcb_ref, ypred_ref, loss_ref,
                      wa_ref, wu_ref):
    i = pl.program_id(0)

    @pl.when(i == 0)
    def _():
        r_a = lax.broadcasted_iota(jnp.int32, (ADIM, AFT), 0)
        c_a = lax.broadcasted_iota(jnp.int32, (ADIM, AFT), 1)
        wa_ref[...] = jnp.where(r_a // EMB == c_a, fcw_ref[:ADIM, :], 0.0)
        r_u = lax.broadcasted_iota(jnp.int32, (UDIM, UF), 0)
        c_u = lax.broadcasted_iota(jnp.int32, (UDIM, UF), 1)
        wu_ref[...] = jnp.where(r_u // EMB == c_u, fcw_ref[ADIM:, :], 0.0)
        loss_ref[...] = jnp.zeros_like(loss_ref)

    dots_a = jnp.dot(rows_a_ref[...], wa_ref[...],
                     preferred_element_type=jnp.float32)
    dots_u = jnp.dot(rows_u_ref[...], wu_ref[...],
                     preferred_element_type=jnp.float32)
    yp = (jnp.sum(dots_a * av_ref[...], axis=1, keepdims=True)
          + jnp.sum(dots_u * uv_ref[...], axis=1, keepdims=True)
          + fcb_ref[0, 0])
    ypred_ref[...] = yp
    loss_ref[...] = loss_ref[...] + jnp.sum((yp - y_ref[...]) ** 2) / B


def _tc_reduce(rows_a, av2, rows_u, uv, y, fc_w, fc_b):
    return pl.pallas_call(
        _tc_reduce_kernel,
        grid=(B // BB,),
        in_specs=[
            pl.BlockSpec((BB, ADIM), lambda i: (i, 0)),
            pl.BlockSpec((BB, AFT), lambda i: (i, 0)),
            pl.BlockSpec((BB, UDIM), lambda i: (i, 0)),
            pl.BlockSpec((BB, UF), lambda i: (i, 0)),
            pl.BlockSpec((BB, 1), lambda i: (i, 0)),
            pl.BlockSpec((ADIM + UDIM, 1), lambda i: (0, 0)),
            pl.BlockSpec((1, 1), lambda i: (0, 0)),
        ],
        out_specs=[
            pl.BlockSpec((BB, 1), lambda i: (i, 0)),
            pl.BlockSpec((1, 1), lambda i: (0, 0)),
        ],
        out_shape=[
            jax.ShapeDtypeStruct((B, 1), jnp.float32),
            jax.ShapeDtypeStruct((1, 1), jnp.float32),
        ],
        scratch_shapes=[
            pltpu.VMEM((ADIM, AFT), jnp.float32),
            pltpu.VMEM((UDIM, UF), jnp.float32),
        ],
    )(rows_a, av2, rows_u, uv, y, fc_w, fc_b)


def kernel(ui, uv, ai, av, y, a_table, u_table, fc_w, fc_b):
    a_lin, u_lin = _linearize(a_table, u_table)
    ai_flat = ai.reshape(-1).astype(jnp.int32)
    ui_flat = ui.reshape(-1).astype(jnp.int32)
    rows_a, rows_u = _sc_gather(
        a_lin.reshape(A_ROWS, EMB), u_lin.reshape(U_ROWS, EMB),
        ai_flat, ui_flat)
    y_pred, loss = _tc_reduce(
        rows_a.reshape(B, ADIM),
        av.reshape(B, AFT),
        rows_u.reshape(B, UDIM),
        uv.reshape(B, UF),
        y,
        fc_w.reshape(ADIM + UDIM, 1),
        fc_b.reshape(1, 1),
    )
    return loss.reshape(()), y_pred

# --- scband reference (transcript-rebuilt; emitter-appended) ---
"""Pipeline reference for scband-lr-28630251995366 (READ-ONLY COPY).

The authoritative reference and input builder live on the scoring server;
editing this copy changes nothing except your own understanding.
"""

import jax, jax.numpy as jnp
import numpy as np

BATCH = 4096
DAY = 7
A_FIELDS = 26
U_FIELDS = 26
EMB = 16
A_FEAT = 1000000
U_FEAT = 100000


def setup_inputs(seed: int = 0) -> dict:
    key = jax.random.key(seed)
    ks = jax.random.split(key, 9)
    ui = jax.random.randint(ks[0], (BATCH, U_FIELDS), 0, U_FEAT, dtype=jnp.int64 if jax.config.jax_enable_x64 else jnp.int32)
    uv = jax.random.uniform(ks[1], (BATCH, U_FIELDS), dtype=jnp.float32)
    ai = jax.random.randint(ks[2], (BATCH, DAY, A_FIELDS), 0, A_FEAT, dtype=jnp.int64 if jax.config.jax_enable_x64 else jnp.int32)
    av = jax.random.uniform(ks[3], (BATCH, DAY, A_FIELDS), dtype=jnp.float32)
    y = jax.random.uniform(ks[4], (BATCH, 1), dtype=jnp.float32)
    a_table = jax.random.normal(ks[5], (A_FEAT, EMB), dtype=jnp.float32) * 0.01
    u_table = jax.random.normal(ks[6], (U_FEAT, EMB), dtype=jnp.float32) * 0.01
    in_size = DAY * A_FIELDS * EMB + U_FIELDS * EMB
    fc_w = jax.random.normal(ks[7], (in_size, 1), dtype=jnp.float32) * 0.01
    fc_b = jnp.zeros((1,), dtype=jnp.float32)
    return {"ui": ui, "uv": uv, "ai": ai, "av": av, "y": y,
            "a_table": a_table, "u_table": u_table, "fc_w": fc_w, "fc_b": fc_b}


def reference(ui, uv, ai, av, y, a_table, u_table, fc_w, fc_b):
    # embedding lookups (SparseCore gather)
    a_emb = jnp.take(a_table, ai, axis=0)          # [B, DAY, A_FIELDS, EMB]
    u_emb = jnp.take(u_table, ui, axis=0)          # [B, U_FIELDS, EMB]
    # multiply by dense feature values
    a_emb = a_emb * av.reshape(-1, DAY, A_FIELDS, 1)
    u_emb = u_emb * uv.reshape(-1, U_FIELDS, 1)
    a_flat = a_emb.reshape(BATCH, -1)
    u_flat = u_emb.reshape(BATCH, -1)
    deep_input = jnp.concatenate((a_flat, u_flat), axis=1)
    y_pred = deep_input @ fc_w + fc_b              # [B, 1]
    # default lossFun == 'MSE' path (y_true_bool computed but unused for MSE)
    esp = 1e-05
    y_true_bool = jnp.where(y >= esp, 1.0, 0.0)
    _ = y_true_bool
    loss = jnp.mean((y_pred - y) ** 2)
    return (loss, y_pred)

if __name__ == "__main__":
    import jax
    _d = setup_inputs()
    print(jax.jit(kernel)(*tuple(_d.values())))

</pallas_src>

<mosaic_0001>
#map = affine_map<(d0, d1) -> (0, 0)>
#map1 = affine_map<(d0, d1) -> (0)>
module attributes {stable_mosaic.version = 14 : i64} {
  func.func @gather_kernel(%arg0: i32, %arg1: i32, %arg2: memref<1000000x16xf32, #tpu.memory_space<hbm>>, %arg3: memref<100000x16xf32, #tpu.memory_space<hbm>>, %arg4: memref<745472xi32, #tpu.memory_space<hbm>>, %arg5: memref<106496xi32, #tpu.memory_space<hbm>>, %arg6: memref<745472x16xf32, #tpu.memory_space<hbm>>, %arg7: memref<106496x16xf32, #tpu.memory_space<hbm>>, %arg8: memref<2912xi32, #tpu.memory_space<vmem>>, %arg9: memref<2912x16xf32, #tpu.memory_space<vmem>>, %arg10: memref<3328xi32, #tpu.memory_space<vmem>>, %arg11: memref<3328x16xf32, #tpu.memory_space<vmem>>, %arg12: memref<!tpu.dma_semaphore, #tpu.memory_space<semaphore_mem>>) attributes {dimension_semantics = [#tpu.dimension_semantics<core_parallel>, #tpu.dimension_semantics<subcore_parallel>], iteration_bounds = array<i64: 2, 16>, scalar_prefetch = 0 : i64, scratch_operands = 5 : i64, tpu.core_type = #tpu.core_type<sc_vector_subcore>, window_params = [{transform_indices = #map}, {transform_indices = #map}, {transform_indices = #map1}, {transform_indices = #map1}, {transform_indices = #map}, {transform_indices = #map}]} {
    %mul3A = arith.constant 2 : i32
    %mul3A_0 = arith.muli %arg1, %mul3A : i32
    %add3A = arith.addi %mul3A_0, %arg0 : i32
    %mul3A_1 = arith.constant 23296 : i32
    %mul3A_2 = arith.muli %add3A, %mul3A_1 : i32
    %scan3A = arith.constant 0 : i32
    %scan3A_3 = arith.constant 8 : i32
    %scan3A_4 = arith.addi %scan3A, %scan3A_3 : i32
    %scan3A_5 = arith.constant 1 : i32
    scf.for %scan3A_13 = %scan3A to %scan3A_4 step %scan3A_5  : i32 {
      %mul3A_14 = arith.constant 1 : i32
      %mul3A_15 = arith.muli %scan3A_13, %mul3A_14 : i32
      %add3A_16 = arith.constant 0 : i32
      %add3A_17 = arith.addi %add3A_16, %mul3A_15 : i32
      %mul3A_18 = arith.constant 2912 : i32
      %mul3A_19 = arith.muli %add3A_17, %mul3A_18 : i32
      %add3A_20 = arith.addi %mul3A_2, %mul3A_19 : i32
      "tpu.region"() ({
        %run_scoped3A = tpu.sem_alloc : memref<!tpu.dma_semaphore, #tpu.memory_space<semaphore_mem>>
        %dma_start3A_27 = tpu.memref_slice %arg4[%add3A_20] : memref<745472xi32, #tpu.memory_space<hbm>> -> memref<2912xi32, #tpu.memory_space<hbm>>
        %dma_start3A_28 = tpu.memref_slice %arg4[%add3A_20] : memref<745472xi32, #tpu.memory_space<hbm>> -> memref<2912xi32, #tpu.memory_space<hbm>>
        tpu.enqueue_dma source(%dma_start3A_28 : memref<2912xi32, #tpu.memory_space<hbm>>) target(%arg8 : memref<2912xi32, #tpu.memory_space<vmem>>) target_semaphore(%run_scoped3A : memref<!tpu.dma_semaphore, #tpu.memory_space<semaphore_mem>>)
        %dma_wait3A_29 = tpu.memref_slice %arg4[%add3A_20] : memref<745472xi32, #tpu.memory_space<hbm>> -> memref<2912xi32, #tpu.memory_space<hbm>>
        %dma_wait3A_30 = tpu.memref_slice %arg4[%add3A_20] : memref<745472xi32, #tpu.memory_space<hbm>> -> memref<2912xi32, #tpu.memory_space<hbm>>
        tpu.wait_dma2 semaphore(%run_scoped3A : memref<!tpu.dma_semaphore, #tpu.memory_space<semaphore_mem>>) src(%dma_wait3A_30 : memref<2912xi32, #tpu.memory_space<hbm>>) dst(%arg8 : memref<2912xi32, #tpu.memory_space<vmem>>)
        tpu.yield
      }) : () -> ()
      %dma_start3A_21 = arith.constant 0 : i32
      %dma_start3A_22 = arith.constant 0 : i32
      %dma_start3A_23 = tpu.memref_slice %arg2[%dma_start3A_21, %dma_start3A_22] : memref<1000000x16xf32, #tpu.memory_space<hbm>> -> memref<1000000x16xf32, #tpu.memory_space<hbm>>
      tpu.enqueue_indirect_dma source(%dma_start3A_23 : memref<1000000x16xf32, #tpu.memory_space<hbm>>) target(%arg9 : memref<2912x16xf32, #tpu.memory_space<vmem>>) offsets(%arg8 : memref<2912xi32, #tpu.memory_space<vmem>>) semaphore(%arg12 : memref<!tpu.dma_semaphore, #tpu.memory_space<semaphore_mem>>)
      %dma_wait3A_24 = arith.constant 0 : i32
      %dma_wait3A_25 = arith.constant 0 : i32
      %dma_wait3A_26 = tpu.memref_slice %arg2[%dma_wait3A_24, %dma_wait3A_25] : memref<1000000x16xf32, #tpu.memory_space<hbm>> -> memref<1000000x16xf32, #tpu.memory_space<hbm>>
      tpu.wait_indirect_dma semaphore(%arg12 : memref<!tpu.dma_semaphore, #tpu.memory_space<semaphore_mem>>) src(%dma_wait3A_26 : memref<1000000x16xf32, #tpu.memory_space<hbm>>) dst(%arg9 : memref<2912x16xf32, #tpu.memory_space<vmem>>)
      "tpu.region"() ({
        %run_scoped3A = tpu.sem_alloc : memref<!tpu.dma_semaphore, #tpu.memory_space<semaphore_mem>>
        %dma_start3A_27 = arith.constant 0 : i32
        %dma_start3A_28 = tpu.memref_slice %arg6[%add3A_20, %dma_start3A_27] : memref<745472x16xf32, #tpu.memory_space<hbm>> -> memref<2912x16xf32, #tpu.memory_space<hbm>>
        %dma_start3A_29 = arith.constant 0 : i32
        %dma_start3A_30 = tpu.memref_slice %arg6[%add3A_20, %dma_start3A_29] : memref<745472x16xf32, #tpu.memory_space<hbm>> -> memref<2912x16xf32, #tpu.memory_space<hbm>>
        tpu.enqueue_dma source(%arg9 : memref<2912x16xf32, #tpu.memory_space<vmem>>) target(%dma_start3A_30 : memref<2912x16xf32, #tpu.memory_space<hbm>>) target_semaphore(%run_scoped3A : memref<!tpu.dma_semaphore, #tpu.memory_space<semaphore_mem>>)
        %dma_wait3A_31 = arith.constant 0 : i32
        %dma_wait3A_32 = tpu.memref_slice %arg6[%add3A_20, %dma_wait3A_31] : memref<745472x16xf32, #tpu.memory_space<hbm>> -> memref<2912x16xf32, #tpu.memory_space<hbm>>
        %dma_wait3A_33 = arith.constant 0 : i32
        %dma_wait3A_34 = tpu.memref_slice %arg6[%add3A_20, %dma_wait3A_33] : memref<745472x16xf32, #tpu.memory_space<hbm>> -> memref<2912x16xf32, #tpu.memory_space<hbm>>
        tpu.wait_dma2 semaphore(%run_scoped3A : memref<!tpu.dma_semaphore, #tpu.memory_space<semaphore_mem>>) src(%arg9 : memref<2912x16xf32, #tpu.memory_space<vmem>>) dst(%dma_wait3A_34 : memref<2912x16xf32, #tpu.memory_space<hbm>>)
        tpu.yield
      }) : () -> ()
    }
    %scan3A_6 = arith.constant 8 : i32
    %mul3A_7 = arith.constant 3328 : i32
    %mul3A_8 = arith.muli %add3A, %mul3A_7 : i32
    "tpu.region"() ({
      %run_scoped3A = tpu.sem_alloc : memref<!tpu.dma_semaphore, #tpu.memory_space<semaphore_mem>>
      %dma_start3A_13 = tpu.memref_slice %arg5[%mul3A_8] : memref<106496xi32, #tpu.memory_space<hbm>> -> memref<3328xi32, #tpu.memory_space<hbm>>
      %dma_start3A_14 = tpu.memref_slice %arg5[%mul3A_8] : memref<106496xi32, #tpu.memory_space<hbm>> -> memref<3328xi32, #tpu.memory_space<hbm>>
      tpu.enqueue_dma source(%dma_start3A_14 : memref<3328xi32, #tpu.memory_space<hbm>>) target(%arg10 : memref<3328xi32, #tpu.memory_space<vmem>>) target_semaphore(%run_scoped3A : memref<!tpu.dma_semaphore, #tpu.memory_space<semaphore_mem>>)
      %dma_wait3A_15 = tpu.memref_slice %arg5[%mul3A_8] : memref<106496xi32, #tpu.memory_space<hbm>> -> memref<3328xi32, #tpu.memory_space<hbm>>
      %dma_wait3A_16 = tpu.memref_slice %arg5[%mul3A_8] : memref<106496xi32, #tpu.memory_space<hbm>> -> memref<3328xi32, #tpu.memory_space<hbm>>
      tpu.wait_dma2 semaphore(%run_scoped3A : memref<!tpu.dma_semaphore, #tpu.memory_space<semaphore_mem>>) src(%dma_wait3A_16 : memref<3328xi32, #tpu.memory_space<hbm>>) dst(%arg10 : memref<3328xi32, #tpu.memory_space<vmem>>)
      tpu.yield
    }) : () -> ()
    %dma_start3A = arith.constant 0 : i32
    %dma_start3A_9 = arith.constant 0 : i32
    %dma_start3A_10 = tpu.memref_slice %arg3[%dma_start3A, %dma_start3A_9] : memref<100000x16xf32, #tpu.memory_space<hbm>> -> memref<100000x16xf32, #tpu.memory_space<hbm>>
    tpu.enqueue_indirect_dma source(%dma_start3A_10 : memref<100000x16xf32, #tpu.memory_space<hbm>>) target(%arg11 : memref<3328x16xf32, #tpu.memory_space<vmem>>) offsets(%arg10 : memref<3328xi32, #tpu.memory_space<vmem>>) semaphore(%arg12 : memref<!tpu.dma_semaphore, #tpu.memory_space<semaphore_mem>>)
    %dma_wait3A = arith.constant 0 : i32
    %dma_wait3A_11 = arith.constant 0 : i32
    %dma_wait3A_12 = tpu.memref_slice %arg3[%dma_wait3A, %dma_wait3A_11] : memref<100000x16xf32, #tpu.memory_space<hbm>> -> memref<100000x16xf32, #tpu.memory_space<hbm>>
    tpu.wait_indirect_dma semaphore(%arg12 : memref<!tpu.dma_semaphore, #tpu.memory_space<semaphore_mem>>) src(%dma_wait3A_12 : memref<100000x16xf32, #tpu.memory_space<hbm>>) dst(%arg11 : memref<3328x16xf32, #tpu.memory_space<vmem>>)
    "tpu.region"() ({
      %run_scoped3A = tpu.sem_alloc : memref<!tpu.dma_semaphore, #tpu.memory_space<semaphore_mem>>
      %dma_start3A_13 = arith.constant 0 : i32
      %dma_start3A_14 = tpu.memref_slice %arg7[%mul3A_8, %dma_start3A_13] : memref<106496x16xf32, #tpu.memory_space<hbm>> -> memref<3328x16xf32, #tpu.memory_space<hbm>>
      %dma_start3A_15 = arith.constant 0 : i32
      %dma_start3A_16 = tpu.memref_slice %arg7[%mul3A_8, %dma_start3A_15] : memref<106496x16xf32, #tpu.memory_space<hbm>> -> memref<3328x16xf32, #tpu.memory_space<hbm>>
      tpu.enqueue_dma source(%arg11 : memref<3328x16xf32, #tpu.memory_space<vmem>>) target(%dma_start3A_16 : memref<3328x16xf32, #tpu.memory_space<hbm>>) target_semaphore(%run_scoped3A : memref<!tpu.dma_semaphore, #tpu.memory_space<semaphore_mem>>)
      %dma_wait3A_17 = arith.constant 0 : i32
      %dma_wait3A_18 = tpu.memref_slice %arg7[%mul3A_8, %dma_wait3A_17] : memref<106496x16xf32, #tpu.memory_space<hbm>> -> memref<3328x16xf32, #tpu.memory_space<hbm>>
      %dma_wait3A_19 = arith.constant 0 : i32
      %dma_wait3A_20 = tpu.memref_slice %arg7[%mul3A_8, %dma_wait3A_19] : memref<106496x16xf32, #tpu.memory_space<hbm>> -> memref<3328x16xf32, #tpu.memory_space<hbm>>
      tpu.wait_dma2 semaphore(%run_scoped3A : memref<!tpu.dma_semaphore, #tpu.memory_space<semaphore_mem>>) src(%arg11 : memref<3328x16xf32, #tpu.memory_space<vmem>>) dst(%dma_wait3A_20 : memref<3328x16xf32, #tpu.memory_space<hbm>>)
      tpu.yield
    }) : () -> ()
    return
  }
}

module attributes {stable_mosaic.version = 14 : i64} {
  func.func @_lin_a_kernel(%arg0: i32, %arg1: memref<16x8192xf32, #tpu.memory_space<vmem>>, %arg2: memref<1024x128xf32, #tpu.memory_space<vmem>>) attributes {dimension_semantics = [#tpu.dimension_semantics<arbitrary>], iteration_bounds = array<i64: 123>, scalar_prefetch = 0 : i64, scratch_operands = 0 : i64, tpu.core_type = #tpu.core_type<tc>, window_params = [{transform_indices = @transform_0, window_bounds = array<i64: 16, 8192>}, {transform_indices = @transform_1, window_bounds = array<i64: 1024, 128>}]} {
    %get3A = arith.constant 0 : index
    %get3A_0 = arith.constant 0 : index
    %get3A_1 = vector.load %arg1[%get3A, %get3A_0] : memref<16x8192xf32, #tpu.memory_space<vmem>>, vector<16x8192xf32>
    %transpose3A = tpu.transpose %get3A_1, [1, 0] : vector<16x8192xf32> -> vector<8192x16xf32>
    %reshape3A = vector.shape_cast %transpose3A : vector<8192x16xf32> to vector<1024x8x16xf32>
    %slice3A = vector.extract_strided_slice %reshape3A {offsets = [0, 0, 0], sizes = [1024, 1, 16], strides = [1, 1, 1]} : vector<1024x8x16xf32> to vector<1024x1x16xf32>
    %squeeze3A = vector.shape_cast %slice3A : vector<1024x1x16xf32> to vector<1024x16xf32>
    %slice3A_2 = vector.extract_strided_slice %reshape3A {offsets = [0, 1, 0], sizes = [1024, 1, 16], strides = [1, 1, 1]} : vector<1024x8x16xf32> to vector<1024x1x16xf32>
    %squeeze3A_3 = vector.shape_cast %slice3A_2 : vector<1024x1x16xf32> to vector<1024x16xf32>
    %slice3A_4 = vector.extract_strided_slice %reshape3A {offsets = [0, 2, 0], sizes = [1024, 1, 16], strides = [1, 1, 1]} : vector<1024x8x16xf32> to vector<1024x1x16xf32>
    %squeeze3A_5 = vector.shape_cast %slice3A_4 : vector<1024x1x16xf32> to vector<1024x16xf32>
    %slice3A_6 = vector.extract_strided_slice %reshape3A {offsets = [0, 3, 0], sizes = [1024, 1, 16], strides = [1, 1, 1]} : vector<1024x8x16xf32> to vector<1024x1x16xf32>
    %squeeze3A_7 = vector.shape_cast %slice3A_6 : vector<1024x1x16xf32> to vector<1024x16xf32>
    %slice3A_8 = vector.extract_strided_slice %reshape3A {offsets = [0, 4, 0], sizes = [1024, 1, 16], strides = [1, 1, 1]} : vector<1024x8x16xf32> to vector<1024x1x16xf32>
    %squeeze3A_9 = vector.shape_cast %slice3A_8 : vector<1024x1x16xf32> to vector<1024x16xf32>
    %slice3A_10 = vector.extract_strided_slice %reshape3A {offsets = [0, 5, 0], sizes = [1024, 1, 16], strides = [1, 1, 1]} : vector<1024x8x16xf32> to vector<1024x1x16xf32>
    %squeeze3A_11 = vector.shape_cast %slice3A_10 : vector<1024x1x16xf32> to vector<1024x16xf32>
    %slice3A_12 = vector.extract_strided_slice %reshape3A {offsets = [0, 6, 0], sizes = [1024, 1, 16], strides = [1, 1, 1]} : vector<1024x8x16xf32> to vector<1024x1x16xf32>
    %squeeze3A_13 = vector.shape_cast %slice3A_12 : vector<1024x1x16xf32> to vector<1024x16xf32>
    %slice3A_14 = vector.extract_strided_slice %reshape3A {offsets = [0, 7, 0], sizes = [1024, 1, 16], strides = [1, 1, 1]} : vector<1024x8x16xf32> to vector<1024x1x16xf32>
    %squeeze3A_15 = vector.shape_cast %slice3A_14 : vector<1024x1x16xf32> to vector<1024x16xf32>
    %concatenate3A = tpu.concatenate %squeeze3A, %squeeze3A_3, %squeeze3A_5, %squeeze3A_7, %squeeze3A_9, %squeeze3A_11, %squeeze3A_13, %squeeze3A_15 in 1 : vector<1024x16xf32>, vector<1024x16xf32>, vector<1024x16xf32>, vector<1024x16xf32>, vector<1024x16xf32>, vector<1024x16xf32>, vector<1024x16xf32>, vector<1024x16xf32> -> vector<1024x128xf32>
    %swap3A = arith.constant 0 : index
    %swap3A_16 = arith.constant 0 : index
    %swap3A_17 = vector.load %arg2[%swap3A, %swap3A_16] : memref<1024x128xf32, #tpu.memory_space<vmem>>, vector<1024x128xf32>
    tpu.vector_store %arg2[%swap3A, %swap3A_16], %concatenate3A {strides = array<i32>} : memref<1024x128xf32, #tpu.memory_space<vmem>>, vector<1024x128xf32>,
    return
  }
  func.func @transform_0(%arg0: i32) -> (i32, i32) {
    %c0_i32 = arith.constant 0 : i32
    %c0_i32_0 = arith.constant 0 : i32
    return %c0_i32, %arg0 : i32, i32
  }
  func.func @transform_1(%arg0: i32) -> (i32, i32) {
    %c0_i32 = arith.constant 0 : i32
    %c0_i32_0 = arith.constant 0 : i32
    return %arg0, %c0_i32 : i32, i32
  }
}

module attributes {stable_mosaic.version = 14 : i64} {
  func.func @_lin_u_kernel(%arg0: i32, %arg1: memref<16x8192xf32, #tpu.memory_space<vmem>>, %arg2: memref<1024x128xf32, #tpu.memory_space<vmem>>) attributes {dimension_semantics = [#tpu.dimension_semantics<arbitrary>], iteration_bounds = array<i64: 13>, scalar_prefetch = 0 : i64, scratch_operands = 0 : i64, tpu.core_type = #tpu.core_type<tc>, window_params = [{transform_indices = @transform_0, window_bounds = array<i64: 16, 8192>}, {transform_indices = @transform_1, window_bounds = array<i64: 1024, 128>}]} {
    %get3A = arith.constant 0 : index
    %get3A_0 = arith.constant 0 : index
    %get3A_1 = vector.load %arg1[%get3A, %get3A_0] : memref<16x8192xf32, #tpu.memory_space<vmem>>, vector<16x8192xf32>
    %transpose3A = tpu.transpose %get3A_1, [1, 0] : vector<16x8192xf32> -> vector<8192x16xf32>
    %reshape3A = vector.shape_cast %transpose3A : vector<8192x16xf32> to vector<1024x8x16xf32>
    %slice3A = vector.extract_strided_slice %reshape3A {offsets = [0, 0, 0], sizes = [1024, 1, 16], strides = [1, 1, 1]} : vector<1024x8x16xf32> to vector<1024x1x16xf32>
    %squeeze3A = vector.shape_cast %slice3A : vector<1024x1x16xf32> to vector<1024x16xf32>
    %slice3A_2 = vector.extract_strided_slice %reshape3A {offsets = [0, 1, 0], sizes = [1024, 1, 16], strides = [1, 1, 1]} : vector<1024x8x16xf32> to vector<1024x1x16xf32>
    %squeeze3A_3 = vector.shape_cast %slice3A_2 : vector<1024x1x16xf32> to vector<1024x16xf32>
    %slice3A_4 = vector.extract_strided_slice %reshape3A {offsets = [0, 2, 0], sizes = [1024, 1, 16], strides = [1, 1, 1]} : vector<1024x8x16xf32> to vector<1024x1x16xf32>
    %squeeze3A_5 = vector.shape_cast %slice3A_4 : vector<1024x1x16xf32> to vector<1024x16xf32>
    %slice3A_6 = vector.extract_strided_slice %reshape3A {offsets = [0, 3, 0], sizes = [1024, 1, 16], strides = [1, 1, 1]} : vector<1024x8x16xf32> to vector<1024x1x16xf32>
    %squeeze3A_7 = vector.shape_cast %slice3A_6 : vector<1024x1x16xf32> to vector<1024x16xf32>
    %slice3A_8 = vector.extract_strided_slice %reshape3A {offsets = [0, 4, 0], sizes = [1024, 1, 16], strides = [1, 1, 1]} : vector<1024x8x16xf32> to vector<1024x1x16xf32>
    %squeeze3A_9 = vector.shape_cast %slice3A_8 : vector<1024x1x16xf32> to vector<1024x16xf32>
    %slice3A_10 = vector.extract_strided_slice %reshape3A {offsets = [0, 5, 0], sizes = [1024, 1, 16], strides = [1, 1, 1]} : vector<1024x8x16xf32> to vector<1024x1x16xf32>
    %squeeze3A_11 = vector.shape_cast %slice3A_10 : vector<1024x1x16xf32> to vector<1024x16xf32>
    %slice3A_12 = vector.extract_strided_slice %reshape3A {offsets = [0, 6, 0], sizes = [1024, 1, 16], strides = [1, 1, 1]} : vector<1024x8x16xf32> to vector<1024x1x16xf32>
    %squeeze3A_13 = vector.shape_cast %slice3A_12 : vector<1024x1x16xf32> to vector<1024x16xf32>
    %slice3A_14 = vector.extract_strided_slice %reshape3A {offsets = [0, 7, 0], sizes = [1024, 1, 16], strides = [1, 1, 1]} : vector<1024x8x16xf32> to vector<1024x1x16xf32>
    %squeeze3A_15 = vector.shape_cast %slice3A_14 : vector<1024x1x16xf32> to vector<1024x16xf32>
    %concatenate3A = tpu.concatenate %squeeze3A, %squeeze3A_3, %squeeze3A_5, %squeeze3A_7, %squeeze3A_9, %squeeze3A_11, %squeeze3A_13, %squeeze3A_15 in 1 : vector<1024x16xf32>, vector<1024x16xf32>, vector<1024x16xf32>, vector<1024x16xf32>, vector<1024x16xf32>, vector<1024x16xf32>, vector<1024x16xf32>, vector<1024x16xf32> -> vector<1024x128xf32>
    %swap3A = arith.constant 0 : index
    %swap3A_16 = arith.constant 0 : index
    %swap3A_17 = vector.load %arg2[%swap3A, %swap3A_16] : memref<1024x128xf32, #tpu.memory_space<vmem>>, vector<1024x128xf32>
    tpu.vector_store %arg2[%swap3A, %swap3A_16], %concatenate3A {strides = array<i32>} : memref<1024x128xf32, #tpu.memory_space<vmem>>, vector<1024x128xf32>,
    return
  }
  func.func @transform_0(%arg0: i32) -> (i32, i32) {
    %c0_i32 = arith.constant 0 : i32
    %c0_i32_0 = arith.constant 0 : i32
    return %c0_i32, %arg0 : i32, i32
  }
  func.func @transform_1(%arg0: i32) -> (i32, i32) {
    %c0_i32 = arith.constant 0 : i32
    %c0_i32_0 = arith.constant 0 : i32
    return %arg0, %c0_i32 : i32, i32
  }
}

module attributes {stable_mosaic.version = 14 : i64} {
  func.func @_tc_reduce_kernel(%arg0: i32, %arg1: memref<512x2912xf32, #tpu.memory_space<vmem>>, %arg2: memref<512x182xf32, #tpu.memory_space<vmem>>, %arg3: memref<512x416xf32, #tpu.memory_space<vmem>>, %arg4: memref<512x26xf32, #tpu.memory_space<vmem>>, %arg5: memref<512x1xf32, #tpu.memory_space<vmem>>, %arg6: memref<3328x1xf32, #tpu.memory_space<vmem>>, %arg7: memref<1x1xf32, #tpu.memory_space<vmem>>, %arg8: memref<512x1xf32, #tpu.memory_space<vmem>>, %arg9: memref<1x1xf32, #tpu.memory_space<vmem>>, %arg10: memref<2912x182xf32, #tpu.memory_space<vmem>>, %arg11: memref<416x26xf32, #tpu.memory_space<vmem>>) attributes {dimension_semantics = [#tpu.dimension_semantics<arbitrary>], iteration_bounds = array<i64: 8>, scalar_prefetch = 0 : i64, scratch_operands = 2 : i64, tpu.core_type = #tpu.core_type<tc>, window_params = [{transform_indices = @transform_0, window_bounds = array<i64: 512, 2912>}, {transform_indices = @transform_1, window_bounds = array<i64: 512, 182>}, {transform_indices = @transform_2, window_bounds = array<i64: 512, 416>}, {transform_indices = @transform_3, window_bounds = array<i64: 512, 26>}, {transform_indices = @transform_4, window_bounds = array<i64: 512, 1>}, {pipeline_mode = #tpu.pipeline_mode<synchronous>, transform_indices = @transform_5, window_bounds = array<i64: 3328, 1>}, {pipeline_mode = #tpu.pipeline_mode<synchronous>, transform_indices = @transform_6, window_bounds = array<i64: 1, 1>}, {transform_indices = @transform_7, window_bounds = array<i64: 512, 1>}, {pipeline_mode = #tpu.pipeline_mode<synchronous>, transform_indices = @transform_8, window_bounds = array<i64: 1, 1>}]} {
    %eq3A = arith.constant 0 : i32
    %eq3A_0 = arith.cmpi eq, %arg0, %eq3A : i32
    %convert_element_type3A = arith.extui %eq3A_0 : i1 to i32
    %cond3A = arith.constant 0 : i32
    %cond3A_1 = arith.cmpi ne, %convert_element_type3A, %cond3A : i32
    scf.if %cond3A_1 {
      %iota3A = tpu.iota {dimensions = array<i32: 0>} : vector<2912x182xi32>
      %iota3A_52 = tpu.iota {dimensions = array<i32: 1>} : vector<2912x182xi32>
      %jit3A = arith.constant 16 : i32
      %div3A_53 = vector.broadcast %jit3A : i32 to vector<2912x182xi32>
      %div3A_54 = arith.divsi %iota3A, %div3A_53 : vector<2912x182xi32>
      %sign3A = arith.constant 0 : i32
      %sign3A_55 = vector.broadcast %sign3A : i32 to vector<2912x182xi32>
      %sign3A_56 = arith.cmpi sgt, %iota3A, %sign3A_55 : vector<2912x182xi32>
      %sign3A_57 = arith.extui %sign3A_56 : vector<2912x182xi1> to vector<2912x182xi32>
      %sign3A_58 = arith.constant 0 : i32
      %sign3A_59 = vector.broadcast %sign3A_58 : i32 to vector<2912x182xi32>
      %sign3A_60 = arith.cmpi slt, %iota3A, %sign3A_59 : vector<2912x182xi32>
      %sign3A_61 = arith.extui %sign3A_60 : vector<2912x182xi1> to vector<2912x182xi32>
      %sign3A_62 = arith.subi %sign3A_57, %sign3A_61 : vector<2912x182xi32>
      %sign3A_63 = arith.constant 0 : i32
      %sign3A_64 = arith.cmpi sgt, %jit3A, %sign3A_63 : i32
      %sign3A_65 = arith.extui %sign3A_64 : i1 to i32
      %sign3A_66 = arith.constant 0 : i32
      %sign3A_67 = arith.cmpi slt, %jit3A, %sign3A_66 : i32
      %sign3A_68 = arith.extui %sign3A_67 : i1 to i32
      %sign3A_69 = arith.subi %sign3A_65, %sign3A_68 : i32
      %ne3A = vector.broadcast %sign3A_69 : i32 to vector<2912x182xi32>
      %ne3A_70 = arith.cmpi ne, %sign3A_62, %ne3A : vector<2912x182xi32>
      %rem3A = vector.broadcast %jit3A : i32 to vector<2912x182xi32>
      %rem3A_71 = arith.remsi %iota3A, %rem3A : vector<2912x182xi32>
      %ne3A_72 = arith.constant 0 : i32
      %ne3A_73 = vector.broadcast %ne3A_72 : i32 to vector<2912x182xi32>
      %ne3A_74 = arith.cmpi ne, %rem3A_71, %ne3A_73 : vector<2912x182xi32>
      %and3A = arith.andi %ne3A_70, %ne3A_74 : vector<2912x182xi1>
      %sub3A_75 = arith.constant 1 : i32
      %sub3A_76 = vector.broadcast %sub3A_75 : i32 to vector<2912x182xi32>
      %sub3A_77 = arith.subi %div3A_54, %sub3A_76 : vector<2912x182xi32>
      %select_n3A = arith.select %and3A, %sub3A_77, %div3A_54 : vector<2912x182xi1>, vector<2912x182xi32>
      %eq3A_78 = arith.cmpi eq, %select_n3A, %iota3A_52 : vector<2912x182xi32>
      %get3A_79 = arith.constant 0 : index
      %get3A_80 = arith.constant 0 : index
      %get3A_81 = vector.load %arg6[%get3A_79, %get3A_80] : memref<3328x1xf32, #tpu.memory_space<vmem>>, vector<2912x1xf32>
      %jit3A_82 = arith.constant 0.000000e+00 : f32
      %broadcast_in_dim3A_83 = vector.shape_cast %get3A_81 : vector<2912x1xf32> to vector<2912x1xf32>
      %broadcast_in_dim3A_84 = vector.broadcast %broadcast_in_dim3A_83 : vector<2912x1xf32> to vector<2912x182xf32>
      %broadcast_in_dim3A_85 = vector.broadcast %jit3A_82 : f32 to vector<2912x182xf32>
      %select_n3A_86 = arith.select %eq3A_78, %broadcast_in_dim3A_84, %broadcast_in_dim3A_85 : vector<2912x182xi1>, vector<2912x182xf32>
      %swap3A_87 = arith.constant 0 : index
      %swap3A_88 = arith.constant 0 : index
      %swap3A_89 = vector.load %arg10[%swap3A_87, %swap3A_88] : memref<2912x182xf32, #tpu.memory_space<vmem>>, vector<2912x182xf32>
      tpu.vector_store %arg10[%swap3A_87, %swap3A_88], %select_n3A_86 {strides = array<i32>} : memref<2912x182xf32, #tpu.memory_space<vmem>>, vector<2912x182xf32>,
      %iota3A_90 = tpu.iota {dimensions = array<i32: 0>} : vector<416x26xi32>
      %iota3A_91 = tpu.iota {dimensions = array<i32: 1>} : vector<416x26xi32>
      %jit3A_92 = arith.constant 16 : i32
      %div3A_93 = vector.broadcast %jit3A_92 : i32 to vector<416x26xi32>
      %div3A_94 = arith.divsi %iota3A_90, %div3A_93 : vector<416x26xi32>
      %sign3A_95 = arith.constant 0 : i32
      %sign3A_96 = vector.broadcast %sign3A_95 : i32 to vector<416x26xi32>
      %sign3A_97 = arith.cmpi sgt, %iota3A_90, %sign3A_96 : vector<416x26xi32>
      %sign3A_98 = arith.extui %sign3A_97 : vector<416x26xi1> to vector<416x26xi32>
      %sign3A_99 = arith.constant 0 : i32
      %sign3A_100 = vector.broadcast %sign3A_99 : i32 to vector<416x26xi32>
      %sign3A_101 = arith.cmpi slt, %iota3A_90, %sign3A_100 : vector<416x26xi32>
      %sign3A_102 = arith.extui %sign3A_101 : vector<416x26xi1> to vector<416x26xi32>
      %sign3A_103 = arith.subi %sign3A_98, %sign3A_102 : vector<416x26xi32>
      %sign3A_104 = arith.constant 0 : i32
      %sign3A_105 = arith.cmpi sgt, %jit3A_92, %sign3A_104 : i32
      %sign3A_106 = arith.extui %sign3A_105 : i1 to i32
      %sign3A_107 = arith.constant 0 : i32
      %sign3A_108 = arith.cmpi slt, %jit3A_92, %sign3A_107 : i32
      %sign3A_109 = arith.extui %sign3A_108 : i1 to i32
      %sign3A_110 = arith.subi %sign3A_106, %sign3A_109 : i32
      %ne3A_111 = vector.broadcast %sign3A_110 : i32 to vector<416x26xi32>
      %ne3A_112 = arith.cmpi ne, %sign3A_103, %ne3A_111 : vector<416x26xi32>
      %rem3A_113 = vector.broadcast %jit3A_92 : i32 to vector<416x26xi32>
      %rem3A_114 = arith.remsi %iota3A_90, %rem3A_113 : vector<416x26xi32>
      %ne3A_115 = arith.constant 0 : i32
      %ne3A_116 = vector.broadcast %ne3A_115 : i32 to vector<416x26xi32>
      %ne3A_117 = arith.cmpi ne, %rem3A_114, %ne3A_116 : vector<416x26xi32>
      %and3A_118 = arith.andi %ne3A_112, %ne3A_117 : vector<416x26xi1>
      %sub3A_119 = arith.constant 1 : i32
      %sub3A_120 = vector.broadcast %sub3A_119 : i32 to vector<416x26xi32>
      %sub3A_121 = arith.subi %div3A_94, %sub3A_120 : vector<416x26xi32>
      %select_n3A_122 = arith.select %and3A_118, %sub3A_121, %div3A_94 : vector<416x26xi1>, vector<416x26xi32>
      %eq3A_123 = arith.cmpi eq, %select_n3A_122, %iota3A_91 : vector<416x26xi32>
      %get3A_124 = arith.constant 2912 : index
      %get3A_125 = arith.constant 0 : index
      %get3A_126 = vector.load %arg6[%get3A_124, %get3A_125] : memref<3328x1xf32, #tpu.memory_space<vmem>>, vector<416x1xf32>
      %jit3A_127 = arith.constant 0.000000e+00 : f32
      %broadcast_in_dim3A_128 = vector.shape_cast %get3A_126 : vector<416x1xf32> to vector<416x1xf32>
      %broadcast_in_dim3A_129 = vector.broadcast %broadcast_in_dim3A_128 : vector<416x1xf32> to vector<416x26xf32>
      %broadcast_in_dim3A_130 = vector.broadcast %jit3A_127 : f32 to vector<416x26xf32>
      %select_n3A_131 = arith.select %eq3A_123, %broadcast_in_dim3A_129, %broadcast_in_dim3A_130 : vector<416x26xi1>, vector<416x26xf32>
      %swap3A_132 = arith.constant 0 : index
      %swap3A_133 = arith.constant 0 : index
      %swap3A_134 = vector.load %arg11[%swap3A_132, %swap3A_133] : memref<416x26xf32, #tpu.memory_space<vmem>>, vector<416x26xf32>
      tpu.vector_store %arg11[%swap3A_132, %swap3A_133], %select_n3A_131 {strides = array<i32>} : memref<416x26xf32, #tpu.memory_space<vmem>>, vector<416x26xf32>,
      %broadcast_in_dim3A_135 = arith.constant 0.000000e+00 : f32
      %broadcast_in_dim3A_136 = vector.broadcast %broadcast_in_dim3A_135 : f32 to vector<1x1xf32>
      %swap3A_137 = arith.constant 0 : index
      %swap3A_138 = arith.constant 0 : index
      %swap3A_139 = vector.load %arg9[%swap3A_137, %swap3A_138] : memref<1x1xf32, #tpu.memory_space<vmem>>, vector<1x1xf32>
      tpu.vector_store %arg9[%swap3A_137, %swap3A_138], %broadcast_in_dim3A_136 {strides = array<i32>} : memref<1x1xf32, #tpu.memory_space<vmem>>, vector<1x1xf32>,
    } else {
    }
    %get3A = arith.constant 0 : index
    %get3A_2 = arith.constant 0 : index
    %get3A_3 = vector.load %arg1[%get3A, %get3A_2] : memref<512x2912xf32, #tpu.memory_space<vmem>>, vector<512x2912xf32>
    %get3A_4 = arith.constant 0 : index
    %get3A_5 = arith.constant 0 : index
    %get3A_6 = vector.load %arg10[%get3A_4, %get3A_5] : memref<2912x182xf32, #tpu.memory_space<vmem>>, vector<2912x182xf32>
    %dot_general3A = arith.constant dense<0.000000e+00> : vector<512x182xf32>
    %dot_general3A_7 = tpu.matmul %get3A_3, %get3A_6, %dot_general3A {dimension_numbers = #tpu.dot_dimension_numbers<[1], [0], [0], [1], [0, 0, 1, 1], [], []>, transpose_lhs_hint = false} : vector<512x2912xf32>, vector<2912x182xf32>, vector<512x182xf32> -> vector<512x182xf32>
    %get3A_8 = arith.constant 0 : index
    %get3A_9 = arith.constant 0 : index
    %get3A_10 = vector.load %arg3[%get3A_8, %get3A_9] : memref<512x416xf32, #tpu.memory_space<vmem>>, vector<512x416xf32>
    %get3A_11 = arith.constant 0 : index
    %get3A_12 = arith.constant 0 : index
    %get3A_13 = vector.load %arg11[%get3A_11, %get3A_12] : memref<416x26xf32, #tpu.memory_space<vmem>>, vector<416x26xf32>
    %dot_general3A_14 = arith.constant dense<0.000000e+00> : vector<512x26xf32>
    %dot_general3A_15 = tpu.matmul %get3A_10, %get3A_13, %dot_general3A_14 {dimension_numbers = #tpu.dot_dimension_numbers<[1], [0], [0], [1], [0, 0, 1, 1], [], []>, transpose_lhs_hint = false} : vector<512x416xf32>, vector<416x26xf32>, vector<512x26xf32> -> vector<512x26xf32>
    %get3A_16 = arith.constant 0 : index
    %get3A_17 = arith.constant 0 : index
    %get3A_18 = vector.load %arg2[%get3A_16, %get3A_17] : memref<512x182xf32, #tpu.memory_space<vmem>>, vector<512x182xf32>
    %mul3A = arith.mulf %dot_general3A_7, %get3A_18 : vector<512x182xf32>
    %reduce_sum3A = arith.constant dense<0.000000e+00> : vector<512xf32>
    %reduce_sum3A_19 = vector.multi_reduction <add>, %mul3A, %reduce_sum3A [1] : vector<512x182xf32> to vector<512xf32>
    %broadcast_in_dim3A = vector.shape_cast %reduce_sum3A_19 : vector<512xf32> to vector<512x1xf32>
    %get3A_20 = arith.constant 0 : index
    %get3A_21 = arith.constant 0 : index
    %get3A_22 = vector.load %arg4[%get3A_20, %get3A_21] : memref<512x26xf32, #tpu.memory_space<vmem>>, vector<512x26xf32>
    %mul3A_23 = arith.mulf %dot_general3A_15, %get3A_22 : vector<512x26xf32>
    %reduce_sum3A_24 = arith.constant dense<0.000000e+00> : vector<512xf32>
    %reduce_sum3A_25 = vector.multi_reduction <add>, %mul3A_23, %reduce_sum3A_24 [1] : vector<512x26xf32> to vector<512xf32>
    %broadcast_in_dim3A_26 = vector.shape_cast %reduce_sum3A_25 : vector<512xf32> to vector<512x1xf32>
    %add3A = arith.addf %broadcast_in_dim3A, %broadcast_in_dim3A_26 : vector<512x1xf32>
    %get3A_27 = arith.constant 0 : index
    %get3A_28 = arith.constant 0 : index
    %get3A_29 = vector.load %arg7[%get3A_27, %get3A_28] : memref<1x1xf32, #tpu.memory_space<vmem>>, vector<1x1xf32>
    %get3A_30 = vector.extract %get3A_29[0, 0] : f32 from vector<1x1xf32>
    %add3A_31 = vector.broadcast %get3A_30 : f32 to vector<512x1xf32>
    %add3A_32 = arith.addf %add3A, %add3A_31 : vector<512x1xf32>
    %swap3A = arith.constant 0 : index
    %swap3A_33 = arith.constant 0 : index
    %swap3A_34 = vector.load %arg8[%swap3A, %swap3A_33] : memref<512x1xf32, #tpu.memory_space<vmem>>, vector<512x1xf32>
    tpu.vector_store %arg8[%swap3A, %swap3A_33], %add3A_32 {strides = array<i32>} : memref<512x1xf32, #tpu.memory_space<vmem>>, vector<512x1xf32>,
    %get3A_35 = arith.constant 0 : index
    %get3A_36 = arith.constant 0 : index
    %get3A_37 = vector.load %arg9[%get3A_35, %get3A_36] : memref<1x1xf32, #tpu.memory_space<vmem>>, vector<1x1xf32>
    %get3A_38 = arith.constant 0 : index
    %get3A_39 = arith.constant 0 : index
    %get3A_40 = vector.load %arg5[%get3A_38, %get3A_39] : memref<512x1xf32, #tpu.memory_space<vmem>>, vector<512x1xf32>
    %sub3A = arith.subf %add3A_32, %get3A_40 : vector<512x1xf32>
    %integer_pow3A = arith.mulf %sub3A, %sub3A : vector<512x1xf32>
    %reduce_sum3A_41 = vector.shape_cast %integer_pow3A : vector<512x1xf32> to vector<1x512x1xf32>
    %reduce_sum3A_42 = arith.constant dense<0.000000e+00> : vector<1xf32>
    %reduce_sum3A_43 = vector.multi_reduction <add>, %reduce_sum3A_41, %reduce_sum3A_42 [1, 2] : vector<1x512x1xf32> to vector<1xf32>
    %reduce_sum3A_44 = vector.shape_cast %reduce_sum3A_43 : vector<1xf32> to vector<1x1x1xf32>
    %reduce_sum3A_45 = vector.extract %reduce_sum3A_44[0, 0, 0] : f32 from vector<1x1x1xf32>
    %div3A = arith.constant 4.096000e+03 : f32
    %div3A_46 = arith.divf %reduce_sum3A_45, %div3A : f32
    %add3A_47 = vector.broadcast %div3A_46 : f32 to vector<1x1xf32>
    %add3A_48 = arith.addf %get3A_37, %add3A_47 : vector<1x1xf32>
    %swap3A_49 = arith.constant 0 : index
    %swap3A_50 = arith.constant 0 : index
    %swap3A_51 = vector.load %arg9[%swap3A_49, %swap3A_50] : memref<1x1xf32, #tpu.memory_space<vmem>>, vector<1x1xf32>
    tpu.vector_store %arg9[%swap3A_49, %swap3A_50], %add3A_48 {strides = array<i32>} : memref<1x1xf32, #tpu.memory_space<vmem>>, vector<1x1xf32>,
    return
  }
  func.func @transform_0(%arg0: i32) -> (i32, i32) {
    %c0_i32 = arith.constant 0 : i32
    %c0_i32_0 = arith.constant 0 : i32
    return %arg0, %c0_i32 : i32, i32
  }
  func.func @transform_1(%arg0: i32) -> (i32, i32) {
    %c0_i32 = arith.constant 0 : i32
    %c0_i32_0 = arith.constant 0 : i32
    return %arg0, %c0_i32 : i32, i32
  }
  func.func @transform_2(%arg0: i32) -> (i32, i32) {
    %c0_i32 = arith.constant 0 : i32
    %c0_i32_0 = arith.constant 0 : i32
    return %arg0, %c0_i32 : i32, i32
  }
  func.func @transform_3(%arg0: i32) -> (i32, i32) {
    %c0_i32 = arith.constant 0 : i32
    %c0_i32_0 = arith.constant 0 : i32
    return %arg0, %c0_i32 : i32, i32
  }
  func.func @transform_4(%arg0: i32) -> (i32, i32) {
    %c0_i32 = arith.constant 0 : i32
    %c0_i32_0 = arith.constant 0 : i32
    return %arg0, %c0_i32 : i32, i32
  }
  func.func @transform_5(%arg0: i32) -> (i32, i32) {
    %c0_i32 = arith.constant 0 : i32
    %c0_i32_0 = arith.constant 0 : i32
    %c0_i32_1 = arith.constant 0 : i32
    return %c0_i32, %c0_i32_0 : i32, i32
  }
  func.func @transform_6(%arg0: i32) -> (i32, i32) {
    %c0_i32 = arith.constant 0 : i32
    %c0_i32_0 = arith.constant 0 : i32
    %c0_i32_1 = arith.constant 0 : i32
    return %c0_i32, %c0_i32_0 : i32, i32
  }
  func.func @transform_7(%arg0: i32) -> (i32, i32) {
    %c0_i32 = arith.constant 0 : i32
    %c0_i32_0 = arith.constant 0 : i32
    return %arg0, %c0_i32 : i32, i32
  }
  func.func @transform_8(%arg0: i32) -> (i32, i32) {
    %c0_i32 = arith.constant 0 : i32
    %c0_i32_0 = arith.constant 0 : i32
    %c0_i32_1 = arith.constant 0 : i32
    return %c0_i32, %c0_i32_0 : i32, i32
  }
}

</mosaic_0001>

<sc_bundles>
// kernel: kernel.6.cloned.1.call-start
scs
__scs_entry_jumppad:
0x0: {  	(pc) =	sbr.rel $0x88, $3  }
0x1: {  	(tag) =	ssettag $0x0;
	lr =	simm.s32 $0x1  }
0x2: {  	[smem:$0x3F98] =	sst lr;
	_ =	strace $0xD0000000  }
0x3: {  	_ = 	snop  }
0x4: {  	_ = 	snop  }
0x5: {  	_ = 	snop  }
0x6: {  	_ = 	snop  }
0x7: {  	_ = 	snop  }
__scs_overlays_trampoline_lowered:
0x8: {  	[smem:$0x3FA7] =	sst s0  }
0x9: {  	[smem:$0x3FA8] =	sst s1  }
0xa: {  	[smem:$0x3FA9] =	sst s2  }
0xb: {  	[smem:$0x3FAA] =	sst s3  }
0xc: {  	[smem:$0x3FAB] =	sst s4  }
0xd: {  	[smem:$0x3FAC] =	sst s5  }
0xe: {  	[smem:$0x3FAD] =	sst s6  }
0xf: {  	[smem:$0x3FAE] =	sst s7  }
0x10: {  	[smem:$0x3FAF] =	sst s8  }
0x11: {  	[smem:$0x3FB0] =	sst s9;
	s0 =	simm.s32 @!p0 $0x0  }
0x12: {  	s1 =	sld [smem:$0x3F96];
	s0 =	simm.s32 @p0 $0x1  }
0x13: {  	[smem:$0x3FB1] =	sst s0;
	s0 =	simm.s32 @!p1 $0x0  }
0x14: {  	s2 =	sld [smem:$0x3F95];
	s0 =	simm.s32 @p1 $0x1  }
0x15: {  	[smem:$0x3FB2] =	sst s0;
	s0 =	simm.s32 @!p2 $0x0  }
0x16: {  	s3 =	sld [smem:$0x3FDB];
	s0 =	simm.s32 @p2 $0x1  }
0x17: {  	s4 =	simm.s32 $0x1BF5;
	[smem:$0x3FB4] =	sst s0  }
0x18: {  	s0 =	sld [smem:$0x3F97];
	_ =	swait.ge [sflag:s4], $0x0  }
0x19: {  	s7 =	sld [smem:$0x3F98]  }
0x1a: {  	s8 =	sadd.s32 $0xFFFFE003, lr  }
0x1b: {  	s9 =	sadd.s32 $0xFFFFFEF7, lr;
	s5 =	simm.s32 $0xFFFFFFFF;
	p2 =	slt.u32 s8, $0xFFFFF086  }
0x1c: {  	p1 =	slt.u32 s9, $0xF7A;
	s5 =	simm.s32 @!p2 $0x0  }
0x1d: {  	s5 =	simm.s32 @p1 $0x1;
	p0 =	seq.s32 s7, s2  }
0x1e: {  	s7 =	smul.u32 @!p0 $0xF7A, s2;
	p2 =	seq.s32 @!p0 s5, $0x0  }
0x1f: {  	s9 =	smul.u32 $0xF7A, s1;
	s8 =	simm.s32 @!p0 $0x1BF5;
	p2 =	por !p2, p0  }
0x20: {  	[sflag:s8] =	ssyncset.s32 @!p0 $0xFFFFF086;
	s6 =	sadd.s32 @!p0 s3, s7;
	s7 =	simm.s32 @!p0 $0x108  }
0x21: {  	s3 =	sadd.s32 s3, s9;
	s6 =	sadd.s32 @!p0 $0x88, s6;
	s7 =	simm.s32 @p2 $0x1082  }
0x22: {  	[simem:s7], [sflag:s8] =	dma.local @!p0 [hbm:s6], $0xF7A  }
0x23: {  	s9 =	sor.u32 $0xD0000000, s2;
	s6 =	simm.s32 $0x108;
	_ =	swait.ge @!p0 [sflag:s8], $0x0  }
0x24: {  	s3 =	sadd.s32 $0x88, s3;
	s6 =	simm.s32 @!p1 $0x1082;
	[sflag:s4] =	ssyncset.s32 $0xFFFFF086  }
0x25: {  	[simem:s6], [sflag:s4] =	dma.local [hbm:s3], $0xF7A  }
0x26: {  	[smem:$0x3F98] =	sst s1;
	(tag) =	ssettag s2;
	_ =	strace s9  }
0x27: {  	s1 =	sld [smem:$0x3FA8]  }
0x28: {  	s2 =	sld [smem:$0x3FA9]  }
0x29: {  	s4 =	sld [smem:$0x3FAB]  }
0x2a: {  	p0 =	seq.s32 s5, $0x0;
	s5 =	sld [smem:$0x3FAC]  }
0x2b: {  	s6 =	sld [smem:$0x3FAD]  }
0x2c: {  	s7 =	sld [smem:$0x3FAE]  }
0x2d: {  	s3 =	simm.s32 $0x108;
	s8 =	sld [smem:$0x3FAF]  }
0x2e: {  	s3 =	simm.s32 @!p0 $0x1082;
	s9 =	sld [smem:$0x3FB0]  }
0x2f: {  	lr =	sadd.s32 s0, s3;
	s0 =	sld [smem:$0x3FA7]  }
0x30: {  	s3 =	sld [smem:$0x3FAA]  }
0x31: {  	[smem:$0x3FB3] =	sst s10  }
0x32: {  	s10 =	sld [smem:$0x3FB1];
	_ =	sdelay $0x3  }
0x33: {  	p0 =	seq.s32 s10, $0x1;
	s10 =	sld [smem:$0x3FB3];
	_ =	sdelay $0x3  }
0x34: {  	[smem:$0x3FB3] =	sst s10  }
0x35: {  	s10 =	sld [smem:$0x3FB2];
	_ =	sdelay $0x3  }
0x36: {  	p1 =	seq.s32 s10, $0x1;
	s10 =	sld [smem:$0x3FB3];
	_ =	sdelay $0x3  }
0x37: {  	[smem:$0x3FB3] =	sst s10  }
0x38: {  	s10 =	sld [smem:$0x3FB4]  }
0x39: {  	_ = 	snop;
	(pc) =	sbr.ind lr, $3  }
0x3a: {  	_ = 	snop  }
0x3b: {  	_ = 	snop  }
0x3c: {  	p2 =	seq.s32 s10, $0x1;
	s10 =	sld [smem:$0x3FB3]  }
0x3d: {  	_ =	shalt  }
0x3e: {  	_ =	shalt  }
0x3f: {  	_ =	shalt  }
0x40: {  	_ =	shalt  }
0x41: {  	_ =	shalt  }
0x42: {  	_ =	shalt  }
0x43: {  	_ =	shalt  }
0x44: {  	_ =	shalt  }
0x45: {  	_ =	shalt  }
0x46: {  	_ =	shalt  }
0x47: {  	_ =	shalt  }
0x48: {  	_ =	shalt  }
0x49: {  	_ =	shalt  }
0x4a: {  	_ =	shalt  }
0x4b: {  	_ =	shalt  }
0x4c: {  	_ =	shalt  }
0x4d: {  	_ =	shalt  }
0x4e: {  	_ =	shalt  }
0x4f: {  	_ =	shalt  }
0x50: {  	_ =	shalt  }
0x51: {  	_ =	shalt  }
0x52: {  	_ =	shalt  }
0x53: {  	_ =	shalt  }
0x54: {  	_ =	shalt  }
0x55: {  	_ =	shalt  }
0x56: {  	_ =	shalt  }
0x57: {  	_ =	shalt  }
0x58: {  	_ =	shalt  }
0x59: {  	_ =	shalt  }
0x5a: {  	_ =	shalt  }
0x5b: {  	_ =	shalt  }
0x5c: {  	_ =	shalt  }
0x5d: {  	_ =	shalt  }
0x5e: {  	_ =	shalt  }
0x5f: {  	_ =	shalt  }
0x60: {  	_ =	shalt  }
0x61: {  	_ =	shalt  }
0x62: {  	_ =	shalt  }
0x63: {  	_ =	shalt  }
0x64: {  	_ =	shalt  }
0x65: {  	_ =	shalt  }
0x66: {  	_ =	shalt  }
0x67: {  	_ =	shalt  }
0x68: {  	_ =	shalt  }
0x69: {  	_ =	shalt  }
0x6a: {  	_ =	shalt  }
0x6b: {  	_ =	shalt  }
0x6c: {  	_ =	shalt  }
0x6d: {  	_ =	shalt  }
0x6e: {  	_ =	shalt  }
0x6f: {  	_ =	shalt  }
0x70: {  	_ =	shalt  }
0x71: {  	_ =	shalt  }
0x72: {  	_ =	shalt  }
0x73: {  	_ =	shalt  }
0x74: {  	_ =	shalt  }
0x75: {  	_ =	shalt  }
0x76: {  	_ =	shalt  }
0x77: {  	_ =	shalt  }
0x78: {  	_ =	shalt  }
0x79: {  	_ =	shalt  }
0x7a: {  	_ =	shalt  }
0x7b: {  	_ =	shalt  }
0x7c: {  	_ =	shalt  }
0x7d: {  	_ =	shalt  }
0x7e: {  	_ =	shalt  }
0x7f: {  	_ =	shalt  }
0x80: {  	_ =	shalt  }
0x81: {  	_ =	shalt  }
0x82: {  	_ =	shalt  }
0x83: {  	_ =	shalt  }
0x84: {  	_ =	shalt  }
0x85: {  	_ =	shalt  }
0x86: {  	_ =	shalt  }
0x87: {  	_ =	shalt  }
.Lfunc_end0:
.L_simem_size_0:
called_computation_lowered:
.L_overlay_start_0:
0x88: {  	s2 =	sld [smem:$0x3FD9]  }
0x89: {  	s3 =	sld [smem:$0x3FFE];
	_ =	sdelay $0x1  }
0x8a: {  	s1 =	srdreg.scid  }
0x8b: {  	s0 =	sand.u32 $0x1, s1  }
0x8c: {  	s16 =	sshll.u32 s0, $0xA;
	s2 =	sadd.s32 s3, s2  }
0x8d: {  	s2 =	sadd.s32 s2, s16  }
0x8e: {  	[smem:$0x3FBF] =	sst s2  }
0x8f: {  	_ = 	snop  }
0x90: {  	(tm) =	ssettm $0x1  }
0x91: {  	s17 =	sld [smem:$0x3FFB];
	_ =	sdelay $0x3  }
0x92: {  	_ =	strace s17  }
0x93: {  	s2 =	sld [smem:$0x3FFC];
	_ =	sdelay $0x3  }
0x94: {  	_ =	strace s2  }
0x95: {  	s2 =	sld [smem:$0x3FFD];
	_ =	sdelay $0x3  }
0x96: {  	_ =	strace s2  }
0x97: {  	_ =	strace $0x8FFFFFFF  }
0x98: {  	s18 =	sld [smem:$0x3FDB];
	_ =	sdelay $0x1  }
0x99: {  	s19 =	simm.s32 $_scs_section_size  }
0x9a: {  	s4 =	simm.s32 $_size__tile_overlayer_lowered;
	s5 =	simm.s32 $_tile_overlayer_lowered  }
0x9b: {  	s22 =	simm.s32 $0x1BFF;
	s21 =	sshll.u32 s5, $0x1;
	s2 =	sadd.s32 s19, s18  }
0x9c: {  	s6 =	simm.s32 $0x0;
	s20 =	sshll.u32 s4, $0x1;
	s4 =	sadd.s32 s21, s2  }
0x9d: {  	[timem:s6], [sflag:s22] =	dma.local [hbm:s4], s20  }
0x9e: {  	_ =	swait.ge [sflag:s22], s20  }
0x9f: {  	s3 =	ssub.s32 $0x0, s20;
	[sflag:s22] =	ssyncset.done $0x0  }
0xa0: {  	[sflag:s22] =	ssyncadd.s32 s3;
	_ =	sdelay $0x1  }
0xa1: {  	s23 =	simm.s32 $0x1B8B  }
0xa2: {  	_ =	swait.ge [sflag:s23], $0x1  }
0xa3: {  	[sflag:s23] =	ssyncset.done $0x0  }
0xa4: {  	s25 =	simm.s32 $0x1B8E;
	s24 =	sld [smem:$0x3FFE];
	[sflag:s23] =	ssyncadd.s32 $0xFFFFFFFF  }
0xa5: {  	s26 =	simm.s32 $execute0_lowered;
	[smem:$0x3FD2] =	sst s25  }
0xa6: {  	s4 =	sshll.u32 s26, $0x1;
	_ =	strace $0x80000046;
	[dreg:$0x1] =	wrdreg $0xFFFFFFFF  }
0xa7: {  	s28 =	simm.s32 $_size_execute0_lowered;
	s2 =	sadd.s32 s2, s4;
	[dreg:$0x0] =	wrdreg $0x0  }
0xa8: {  	s4 =	sshll.u32 s28, $0x1;
	[dreg:$0x2] =	wrdreg s2  }
0xa9: {  	[dreg:$0x3] =	wrdreg s4  }
0xaa: {  	[dreg:$0x4] =	wrdreg $0xC0  }
0xab: {  	_ =	task [dreg:s6], $0x5FFFF  }
0xac: {  	[dreg:$0x1] =	wrdreg $0xFFFFFFFF  }
0xad: {  	[dreg:$0x0] =	wrdreg $0x60  }
0xae: {  	[dreg:$0x2] =	wrdreg s24  }
0xaf: {  	[dreg:$0x3] =	wrdreg $0x9  }
0xb0: {  	_ =	task.clear_ibuf [dreg:s6], $0x4FFFF;
	_ =	strace $0x90000046  }
0xb1: {  	s29 =	simm.s32 $0x9;
	_ =	strace $0x80000048  }
0xb2: {  	_ =	swait.ge [sflag:s29], $0x1  }
0xb3: {  	[sflag:s29] =	ssyncadd.s32 $0xFFFFFFFF  }
0xb4: {  	_ =	strace $0x90000048  }
0xb5: {  	_ =	sfence  }
0xb6: {  	s30 =	sld [smem:$0x0];
	_ =	sdelay $0x2  }
0xb7: {  	s31 =	sshll.u32 s1, $0xD;
	s1 =	sshrl.u32 s1, $0x2  }
0xb8: {  	s3 =	sand.u32 $0x4000, s31;
	s1 =	sadd.s32 s1, s30  }
0xb9: {  	s0 =	sor.u32 s3, s0;
	s1 =	sshll.u32 s1, $0x11  }
0xba: {  	s0 =	sor.u32 s1, s0  }
0xbb: {  	s0 =	sadd.s32 $0x8F2B, s0  }
0xbc: {  	[sflag:s0] =	ssyncadd.remote.s32 $0x1  }
0xbd: {  	_ =	sfence.sel $0xFFFF  }
0xbe: {  	[dreg:$0x0] =	wrdreg $0xFFFFFFFF;
	(pc) =	sbr.abs _section_cstart, $3  }
0xbf: {  	[dreg:$0x1] =	wrdreg $0xFFFFFFFF  }
0xc0: {  	_ =	task.clear_ibuf [dreg:s6], $0x2FFFF;
	_ =	strace $0x9FFFFFFF  }
0xc1: {  	(tm) =	ssettm $0x7FFFFFFF  }
tec
execute0_lowered:
.L_overlay_start_1:
0x0: {  	(tag) =	ssettag $0x1  }
0x1: {  	s1 =	srdreg.scid  }
0x2: {  	s0 =	stileid.u32;
	s5 =	rddreg [dreg:$0x0];
	s2 =	simm.s32 $0x0  }
0x3: {  	s14 =	simm.s32 $0xD00;
	s15 =	simm.s32 $0xCE60;
	s3 =	smul.u32 $0xB600, s0  }
0x4: {  	s16 =	simm.s32 $0x0;
	s6 =	sand.u32 $0x1, s1;
	s29 =	smul.u32 $0x16C00, s0  }
0x5: {  	s1 =	rddreg [dreg:$0x1];
	s7 =	sshll.u32 s0, $0x1;
	s4 =	smul.u32 $0x5B00, s6  }
0x6: {  	[smem:$0x7FF] =	sst s2;
	s7 =	sor.u32 s6, s7;
	s13 =	smul.u32 $0xB600, s6  }
0x7: {  	_ =	strace $0x80000047;
	s11 =	ssub.s32 $0x2, s6;
	s9 =	smul.u32 $0x1A0, s7  }
0x8: {  	s7 =	smul.u32 $0x1A00, s7;
	s12 =	sshrl.u32 s11, $0x1;
	s4 =	sadd.s32 s4, s3  }
0x9: {  	s3 =	sadd.s32 $0x1C00, s5;
	s31 =	ssub.s32 s11, s12;
	s11 =	simm.s32 $0xB60  }
0xa: {  	s12 =	simm.s32 $0x1;
	s8 =	sshrl.u32 s4, $0x3;
	s4 =	sadd.s32 $0x200E00, s5  }
0xb: {  	s9 =	sadd.s32 s9, s5;
	s30 =	sadd.s32 s7, s5;
	s7 =	smax.u32 s31, $0x1  }
0xc: {  	s10 =	sadd.s32 s8, s5;
	s8 =	sadd.s32 s29, s5;
	s5 =	sadd.s32 $0x231C00, s9  }
0xd: {  	s6 =	sadd.s32 $0x3A1000, s30;
	s8 =	sadd.s32 s13, s8;
	s9 =	sadd.s32 $0x1EA200, s10  }
0xe: {  	s10 =	simm.s32 $0x2;
	s13 =	simm.s32 $0xC160;
	s8 =	sadd.s32 $0x235000, s8  }
.LBB2_1:
0xf: {  	s17 =	sadd.s32 $0x0, s9  }
0x10: {  	[tilespmem:s2], [sflag:$0x2] =	stream.linear.gather [hbm4b:s17+s2], $0xB60, $0x38;
	[tilespmem:$0x19E60] =	vst v63  }
0x11: {  	_ =	swait.ge [sflag:s10], $0xB60  }
0x12: {  	[sflag:s10] =	ssyncset.done $0x0  }
0x13: {  	[sflag:s10] =	ssyncadd.s32 $0xFFFFF4A0  }
0x14: {  	[tilespmem:s11], [sflag:$0x1] =	stream.indirect.gather [hbm4b:s3+s11], $0x10, s2, s11, $0xb8;
	[tilespmem:$0x19E60] =	vst v63  }
0x15: {  	_ =	swait.ge [sflag:s12], $0xB600  }
0x16: {  	[sflag:s12] =	ssyncset.done $0x0  }
0x17: {  	[sflag:s12] =	ssyncadd.s32 $0xFFFF4A00  }
0x18: {  	[hbm4b:s8+s2] =	stream.linear.scatter [tilespmem:s11], [sflag:$0x2], $0xB600, $0x38;
	[tilespmem:$0x19E60] =	vst v63  }
0x19: {  	s18 =	simm.s32 $0x16C;
	_ =	swait.ge [sflag:s10], $0xB600  }
0x1a: {  	s19 =	simm.s32 $0x2D8;
	s17 =	sadd.s32 $0x16C0, s8;
	[sflag:s10] =	ssyncset.done $0x0  }
.LBB2_2:
0x1b: {  	s20 =	sadd.s32 s18, s9  }
0x1c: {  	[sflag:s10] =	ssyncadd.s32 $0xFFFF4A00;
	s18 =	smov.u32 s19;
	s21 =	sadd.s32 $0x16C, s19  }
0x1d: {  	[tilespmem:s2], [sflag:$0x2] =	stream.linear.gather [hbm4b:s20+s2], $0xB60, $0x38;
	[tilespmem:$0x19E60] =	vst v63  }
0x1e: {  	p0 =	sne.s32 s19, $0x9F4;
	_ =	swait.ge [sflag:s10], $0xB60  }
0x1f: {  	[sflag:s10] =	ssyncset.done $0x0  }
0x20: {  	[sflag:s10] =	ssyncadd.s32 $0xFFFFF4A0  }
0x21: {  	[tilespmem:s11], [sflag:$0x1] =	stream.indirect.gather [hbm4b:s3+s11], $0x10, s2, s11, $0xb8;
	[tilespmem:$0x19E60] =	vst v63  }
0x22: {  	_ =	swait.ge [sflag:s12], $0xB600  }
.Ltmp0:
0x23: {  	[sflag:s12] =	ssyncset.done $0x0;
	(pc) =	sbr.rel @p0 .LBB2_2-.Ltmp0, $4  }
0x24: {  	[sflag:s12] =	ssyncadd.s32 $0xFFFF4A00  }
0x25: {  	[hbm4b:s17+s2] =	stream.linear.scatter [tilespmem:s11], [sflag:$0x2], $0xB600, $0x38;
	[tilespmem:$0x19E60] =	vst v63  }
0x26: {  	_ =	swait.ge [sflag:s10], $0xB600  }
0x27: {  	s19 =	smov.u32 s21;
	s17 =	sadd.s32 $0x16C0, s17;
	[sflag:s10] =	ssyncset.done $0x0  }
0x28: {  	s18 =	sadd.s32 s18, s9;
	[sflag:s10] =	ssyncadd.s32 $0xFFFF4A00  }
0x29: {  	[tilespmem:s2], [sflag:$0x2] =	stream.linear.gather [hbm4b:s18+s2], $0xB60, $0x38;
	[tilespmem:$0x19E60] =	vst v63  }
0x2a: {  	_ =	swait.ge [sflag:s10], $0xB60  }
0x2b: {  	[sflag:s10] =	ssyncset.done $0x0  }
0x2c: {  	[sflag:s10] =	ssyncadd.s32 $0xFFFFF4A0  }
0x2d: {  	[tilespmem:s11], [sflag:$0x1] =	stream.indirect.gather [hbm4b:s3+s11], $0x10, s2, s11, $0xb8;
	[tilespmem:$0x19E60] =	vst v63  }
0x2e: {  	_ =	swait.ge [sflag:s12], $0xB600  }
0x2f: {  	[sflag:s12] =	ssyncset.done $0x0  }
0x30: {  	[sflag:s12] =	ssyncadd.s32 $0xFFFF4A00  }
0x31: {  	[hbm4b:s17+s2] =	stream.linear.scatter [tilespmem:s11], [sflag:$0x2], $0xB600, $0x38;
	[tilespmem:$0x19E60] =	vst v63  }
0x32: {  	_ =	swait.ge [sflag:s10], $0xB600  }
0x33: {  	[sflag:s10] =	ssyncset.done $0x0  }
0x34: {  	[sflag:s10] =	ssyncadd.s32 $0xFFFF4A00  }
0x35: {  	[tilespmem:s13], [sflag:$0x2] =	stream.linear.gather [hbm4b:s5+s2], $0xD00, $0x38;
	[tilespmem:$0x19E60] =	vst v63  }
0x36: {  	_ =	swait.ge [sflag:s10], $0xD00  }
0x37: {  	[sflag:s10] =	ssyncset.done $0x0  }
0x38: {  	[sflag:s10] =	ssyncadd.s32 $0xFFFFF300  }
0x39: {  	[tilespmem:s15], [sflag:$0x1] =	stream.indirect.gather [hbm4b:s4+s14], $0x10, s13, s14, $0xb8;
	[tilespmem:$0x19E60] =	vst v63  }
0x3a: {  	s16 =	sadd.s32 $0x1, s16;
	_ =	swait.ge [sflag:s12], $0xD000  }
0x3b: {  	p0 =	sne.s32 s16, s7;
	[sflag:s12] =	ssyncset.done $0x0  }
.Ltmp1:
0x3c: {  	[sflag:s12] =	ssyncadd.s32 $0xFFFF3000;
	(pc) =	sbr.rel @p0 .LBB2_1-.Ltmp1, $4  }
0x3d: {  	[hbm4b:s6+s2] =	stream.linear.scatter [tilespmem:s15], [sflag:$0x2], $0xD000, $0x38;
	[tilespmem:$0x19E60] =	vst v63  }
0x3e: {  	_ =	swait.ge [sflag:s10], $0xD000  }
0x3f: {  	[sflag:s10] =	ssyncset.done $0x0  }
0x40: {  	[sflag:s10] =	ssyncadd.s32 $0xFFFF3000  }
0x41: {  	_ =	sfence.sel $0x180000  }
0x42: {  	[bflag:$0x0] =	sbarrier.arrive $0xFFFF  }
0x43: {  	p0 =	sne.s32 s0, $0x0;
	_ =	strace $0x90000047  }
0x44: {  	s0 =	sadd.s32 @!p0 $0x100000, s1;
	[bflag:$0x2] =	sbarrier.arrive $0xFFFF  }
0x45: {  	[sflag:s0] =	ssyncadd.tile.s32 @!p0 $0x1;
	_ =	shalt  }
.Lfunc_end2:
_tile_overlayer_lowered:
.L_overlay_start_2:
0x46: {  	(tag) =	ssettag $0x2  }
0x47: {  	s0 =	rddreg [dreg:$0x0];
	s2 =	stileid.u32  }
0x48: {  	s1 =	rddreg [dreg:$0x1];
	p0 =	sne.s32 s2, $0x0  }
0x49: {  	s3 =	rddreg [dreg:$0x2];
	[bflag:$0x3] =	sbarrier.arrive $0xFFFF;
	s2 =	simm.s32 @!p0 $0x1C02  }
0x4a: {  	[timem:s3], [sflag:s2] =	dma.local @!p0 [hbm:s0], s1  }
0x4b: {  	s0 =	simm.s32 @!p0 $0x2  }
0x4c: {  	_ =	swait.ge @!p0 [sflag:s0], s1  }
0x4d: {  	s1 =	ssub.s32 @!p0 $0x0, s1;
	[sflag:s0] =	ssyncset.done @!p0 $0x0  }
0x4e: {  	[sflag:s0] =	ssyncadd.s32 @!p0 s1  }
0x4f: {  	[bflag:$0x3] =	sbarrier.arrive $0xFFFF  }
0x50: {  	_ =	shalt  }

</sc_bundles>
